<compile_context>
chip_gen: v7x
topology: tpu7x:2x2x1
jax: 0.10.2.dev20260603
libtpu: 0.0.44.dev20260713+nightly
codegen_flags: <defaults>
</compile_context>

<pallas_src>
import functools

import jax
import jax.numpy as jnp
from jax import lax
from jax.experimental import pallas as pl
from jax.experimental.pallas import tpu as pltpu
from jax.experimental.pallas import tpu_sc as plsc

N = 10000
E = 320000
D = 128
G = 128

NC = 2
NS = 16
NW = NC * NS
EPT = E // NW
CH = 96
NCH = 105
EPAD = NCH * CH - EPT
NPAD = 10240
NPS = NPAD // NS

R = 5000
NB = N // R


def _sc_body(x_hbm, src_hbm, dst_hbm, zeros_hbm, out_hbm,
             agg_sh, src_v, dst_v, rows_v, gsem):
    cid = lax.axis_index("c")
    sid = lax.axis_index("s")
    w = cid * NS + sid
    r0 = sid * NPS
    pltpu.sync_copy(zeros_hbm.at[pl.ds(r0, NPS)], agg_sh.at[pl.ds(r0, NPS)])
    pltpu.sync_copy(src_hbm.at[w], src_v)
    pltpu.sync_copy(dst_hbm.at[w], dst_v)
    plsc.subcore_barrier()

    def chunk(ci, carry):
        pltpu.async_copy(x_hbm.at[src_v.at[ci]], rows_v, gsem).wait()
        pltpu.sync_copy(rows_v, agg_sh.at[dst_v.at[ci]], add=True)
        return carry

    lax.fori_loop(0, NCH, chunk, 0)
    plsc.subcore_barrier()
    pltpu.sync_copy(agg_sh.at[pl.ds(r0, NPS)], out_hbm.at[cid, pl.ds(r0, NPS)])


@functools.cache
def _sc_scatter_add():
    mesh = plsc.VectorSubcoreMesh(
        core_axis_name="c", subcore_axis_name="s",
        num_cores=NC, num_subcores=NS)
    return pl.kernel(
        _sc_body,
        out_type=jax.ShapeDtypeStruct((NC, NPAD, D), jnp.float32),
        mesh=mesh,
        scratch_types=[
            pltpu.VMEM_SHARED((NPAD, D), jnp.float32),
            pltpu.VMEM((NCH, CH), jnp.int32),
            pltpu.VMEM((NCH, CH), jnp.int32),
            pltpu.VMEM((CH, D), jnp.float32),
            pltpu.SemaphoreType.DMA,
        ],
    )


def _tc_body(p0_ref, p1_ref, batch_ref, wgnn_ref, bgnn_ref, wimp_ref,
             bimp_ref, w1_ref, b1_ref, w2_ref, b2_ref,
             xw_ref, xg_ref, h_s, ni_s, segmax_s, sums_s, counts_s):
    ph = pl.program_id(0)
    i = pl.program_id(1)
    lanes = lax.broadcasted_iota(jnp.int32, (R, G), 1)
    m = batch_ref[...] == lanes

    @pl.when(ph == 0)
    def _phase0():
        agg = p0_ref[0] + p1_ref[0]
        h = jnp.maximum(
            lax.dot_general(agg, wgnn_ref[...], (((1,), (0,)), ((), ())),
                            preferred_element_type=jnp.float32)
            + bgnn_ref[...], 0.0)
        h_s[i] = h
        s = jnp.sum(agg * wimp_ref[...], axis=1, keepdims=True) + bimp_ref[...]
        ni = jax.nn.sigmoid(s)
        ni_s[i] = ni
        blockmax = jnp.max(jnp.where(m, ni, -jnp.inf), axis=0, keepdims=True)

        @pl.when(i == 0)
        def _init0():
            segmax_s[...] = jnp.full((8, G), -jnp.inf, jnp.float32)

        segmax_s[...] = jnp.maximum(segmax_s[...],
                                    jnp.broadcast_to(blockmax, (8, G)))

    @pl.when(ph == 1)
    def _phase1():
        mf = m.astype(jnp.float32)
        segb = jnp.broadcast_to(segmax_s[0:1, :], (R, G))
        out = jnp.sum(jnp.where(m, segb, 0.0), axis=1, keepdims=True)
        ni = ni_s[i][:, 0:1]
        imp = ni / (out * 10.0) + 0.9
        xw = h_s[i] * imp
        xw_ref[...] = xw

        @pl.when(i == 0)
        def _init1():
            sums_s[...] = jnp.zeros((G, D), jnp.float32)
            counts_s[...] = jnp.zeros((G, D), jnp.float32)

        sums_s[...] += lax.dot_general(mf, xw, (((0,), (0,)), ((), ())),
                                       preferred_element_type=jnp.float32)
        counts_s[...] += lax.dot_general(mf, jnp.ones((R, D), jnp.float32),
                                         (((0,), (0,)), ((), ())),
                                         preferred_element_type=jnp.float32)

        @pl.when(i == NB - 1)
        def _final():
            xg = sums_s[...] / jnp.maximum(counts_s[...], 1.0)
            xg1 = jnp.maximum(
                lax.dot_general(xg, w1_ref[...], (((1,), (0,)), ((), ())),
                                preferred_element_type=jnp.float32)
                + b1_ref[...], 0.0)
            xg_ref[...] = lax.dot_general(
                xg1, w2_ref[...], (((1,), (0,)), ((), ())),
                preferred_element_type=jnp.float32) + b2_ref[...]


_tc = pl.pallas_call(
    _tc_body,
    grid=(2, NB),
    in_specs=[
        pl.BlockSpec((1, R, D), lambda p, i: (0, i * (1 - p), 0)),
        pl.BlockSpec((1, R, D), lambda p, i: (1, i * (1 - p), 0)),
        pl.BlockSpec((R, G), lambda p, i: (i, 0)),
        pl.BlockSpec((D, D), lambda p, i: (0, 0)),
        pl.BlockSpec((1, D), lambda p, i: (0, 0)),
        pl.BlockSpec((1, D), lambda p, i: (0, 0)),
        pl.BlockSpec((1, D), lambda p, i: (0, 0)),
        pl.BlockSpec((D, D), lambda p, i: (0, 0)),
        pl.BlockSpec((1, D), lambda p, i: (0, 0)),
        pl.BlockSpec((D, D), lambda p, i: (0, 0)),
        pl.BlockSpec((1, D), lambda p, i: (0, 0)),
    ],
    out_specs=[
        pl.BlockSpec((R, D), lambda p, i: (i * p, 0)),
        pl.BlockSpec((G, D), lambda p, i: (0, 0)),
    ],
    out_shape=[
        jax.ShapeDtypeStruct((N, D), jnp.float32),
        jax.ShapeDtypeStruct((G, D), jnp.float32),
    ],
    scratch_shapes=[
        pltpu.VMEM((NB, R, D), jnp.float32),
        pltpu.VMEM((NB, R, G), jnp.float32),
        pltpu.VMEM((8, G), jnp.float32),
        pltpu.VMEM((G, D), jnp.float32),
        pltpu.VMEM((G, D), jnp.float32),
    ],
)


def kernel(x, edge_index, batch, W_gnn, b_gnn, W_imp, b_imp, W1, b1, W2, b2):
    src = jnp.pad(edge_index[0].reshape(NW, EPT), ((0, 0), (0, EPAD)),
                  constant_values=0).reshape(NW, NCH, CH)
    dst = jnp.pad(edge_index[1].reshape(NW, EPT), ((0, 0), (0, EPAD)),
                  constant_values=NPAD - 1).reshape(NW, NCH, CH)
    zeros = jnp.zeros((NPAD, D), jnp.float32)
    parts = _sc_scatter_add()(x, src, dst, zeros)
    batch_b = jnp.broadcast_to(batch[:, None], (N, G)).astype(jnp.int32)
    bgnn = jnp.broadcast_to(b_gnn[None, :], (1, D))
    wimp = jnp.broadcast_to(W_imp[:, 0][None, :], (1, D))
    bimp = jnp.broadcast_to(b_imp[None, :], (1, D))
    b1b = jnp.broadcast_to(b1[None, :], (1, D))
    b2b = jnp.broadcast_to(b2[None, :], (1, D))
    xw, x_graph = _tc(parts, parts, batch_b, W_gnn, bgnn, wimp, bimp,
                      W1, b1b, W2, b2b)
    return (x_graph, xw)

# --- scband reference (transcript-rebuilt; emitter-appended) ---
"""Pipeline reference for scband-graphcl-53893249630665 (READ-ONLY COPY).

The authoritative reference and input builder live on the scoring server;
editing this copy changes nothing except your own understanding.
"""

import jax, jax.numpy as jnp
import numpy as np

N = 10000
E = 320000
D = 128
G = 128


def setup_inputs(seed: int = 0) -> dict:
    key = jax.random.key(seed)
    ks = jax.random.split(key, 12)
    x = jax.random.normal(ks[0], (N, D), dtype=jnp.float32)
    edge_index = jax.random.randint(ks[1], (2, E), 0, N, dtype=jnp.int32)
    batch = jnp.sort(jax.random.randint(ks[2], (N,), 0, G, dtype=jnp.int32))
    s = 1.0 / np.sqrt(D)
    # gnn (single message-passing layer)
    W_gnn = jax.random.normal(ks[3], (D, D), dtype=jnp.float32) * s
    b_gnn = jnp.zeros((D,), dtype=jnp.float32)
    # node importance estimator head
    W_imp = jax.random.normal(ks[4], (D, 1), dtype=jnp.float32) * s
    b_imp = jnp.zeros((1,), dtype=jnp.float32)
    # projection head: Linear(emb, emb_dim) -> ReLU -> Linear(emb_dim, emb_dim)
    W1 = jax.random.normal(ks[5], (D, D), dtype=jnp.float32) * s
    b1 = jnp.zeros((D,), dtype=jnp.float32)
    W2 = jax.random.normal(ks[6], (D, D), dtype=jnp.float32) * s
    b2 = jnp.zeros((D,), dtype=jnp.float32)
    return {"x": x, "edge_index": edge_index, "batch": batch,
            "W_gnn": W_gnn, "b_gnn": b_gnn, "W_imp": W_imp, "b_imp": b_imp,
            "W1": W1, "b1": b1, "W2": W2, "b2": b2}


def reference(x, edge_index, batch, W_gnn, b_gnn, W_imp, b_imp, W1, b1, W2, b2):
    src = edge_index[0]
    dst = edge_index[1]
    # message passing: scatter-add of source features onto destination nodes
    agg = jnp.zeros_like(x).at[dst].add(x[src])
    # self.gnn(batch_)
    h = jax.nn.relu(agg @ W_gnn + b_gnn)
    # self.node_imp_estimator(imp_batch) -> per-node importance [N, 1]
    node_imp = jax.nn.sigmoid(agg @ W_imp + b_imp)
    # torch_scatter.scatter_max(node_imp.reshape(1,-1), batch); out = out.reshape(-1,1); out = out[batch]
    seg_max = jax.ops.segment_max(node_imp[:, 0], batch, num_segments=G)
    out = seg_max[batch][:, None]
    # node_imp /= out * 10; node_imp += 0.9
    imp = node_imp / (out * 10.0) + 0.9
    # x = x * node_imp
    xw = h * imp
    # global_mean_pool(x, batch)
    sums = jax.ops.segment_sum(xw, batch, num_segments=G)
    counts = jax.ops.segment_sum(jnp.ones((x.shape[0],), jnp.float32), batch, num_segments=G)
    x_graph = sums / jnp.maximum(counts, 1.0)[:, None]
    # projection head
    x_graph = jax.nn.relu(x_graph @ W1 + b1) @ W2 + b2
    return (x_graph, xw)

if __name__ == "__main__":
    import jax
    _d = setup_inputs()
    print(jax.jit(kernel)(*tuple(_d.values())))

</pallas_src>

<mosaic_0001>
#map = affine_map<(d0, d1) -> (0, 0)>
#map1 = affine_map<(d0, d1) -> (0, 0, 0)>
module attributes {stable_mosaic.version = 14 : i64} {
  func.func @_sc_body(%arg0: i32, %arg1: i32, %arg2: memref<10000x128xf32, #tpu.memory_space<hbm>>, %arg3: memref<32x105x96xi32, #tpu.memory_space<hbm>>, %arg4: memref<32x105x96xi32, #tpu.memory_space<hbm>>, %arg5: memref<10240x128xf32, #tpu.memory_space<hbm>>, %arg6: memref<2x10240x128xf32, #tpu.memory_space<hbm>>, %arg7: memref<10240x128xf32, #tpu.memory_space<vmem_shared>>, %arg8: memref<105x96xi32, #tpu.memory_space<vmem>>, %arg9: memref<105x96xi32, #tpu.memory_space<vmem>>, %arg10: memref<96x128xf32, #tpu.memory_space<vmem>>, %arg11: memref<!tpu.dma_semaphore, #tpu.memory_space<semaphore_mem>>) attributes {dimension_semantics = [#tpu.dimension_semantics<core_parallel>, #tpu.dimension_semantics<subcore_parallel>], iteration_bounds = array<i64: 2, 16>, scalar_prefetch = 0 : i64, scratch_operands = 5 : i64, tpu.core_type = #tpu.core_type<sc_vector_subcore>, window_params = [{transform_indices = #map}, {transform_indices = #map1}, {transform_indices = #map1}, {transform_indices = #map}, {transform_indices = #map1}]} {
    %mul3A = arith.constant 16 : i32
    %mul3A_0 = arith.muli %arg0, %mul3A : i32
    %add3A = arith.addi %mul3A_0, %arg1 : i32
    %mul3A_1 = arith.constant 640 : i32
    %mul3A_2 = arith.muli %arg1, %mul3A_1 : i32
    "tpu.region"() ({
      %run_scoped3A = tpu.sem_alloc : memref<!tpu.dma_semaphore, #tpu.memory_space<semaphore_mem>>
      %dma_start3A = arith.constant 0 : i32
      %dma_start3A_9 = tpu.memref_slice %arg7[%mul3A_2, %dma_start3A] : memref<10240x128xf32, #tpu.memory_space<vmem_shared>> -> memref<640x128xf32, #tpu.memory_space<vmem_shared>>
      %dma_start3A_10 = arith.constant 0 : i32
      %dma_start3A_11 = tpu.memref_slice %arg5[%mul3A_2, %dma_start3A_10] : memref<10240x128xf32, #tpu.memory_space<hbm>> -> memref<640x128xf32, #tpu.memory_space<hbm>>
      tpu.enqueue_dma source(%dma_start3A_11 : memref<640x128xf32, #tpu.memory_space<hbm>>) target(%dma_start3A_9 : memref<640x128xf32, #tpu.memory_space<vmem_shared>>) target_semaphore(%run_scoped3A : memref<!tpu.dma_semaphore, #tpu.memory_space<semaphore_mem>>)
      %dma_wait3A = arith.constant 0 : i32
      %dma_wait3A_12 = tpu.memref_slice %arg7[%mul3A_2, %dma_wait3A] : memref<10240x128xf32, #tpu.memory_space<vmem_shared>> -> memref<640x128xf32, #tpu.memory_space<vmem_shared>>
      %dma_wait3A_13 = arith.constant 0 : i32
      %dma_wait3A_14 = tpu.memref_slice %arg5[%mul3A_2, %dma_wait3A_13] : memref<10240x128xf32, #tpu.memory_space<hbm>> -> memref<640x128xf32, #tpu.memory_space<hbm>>
      tpu.wait_dma2 semaphore(%run_scoped3A : memref<!tpu.dma_semaphore, #tpu.memory_space<semaphore_mem>>) src(%dma_wait3A_14 : memref<640x128xf32, #tpu.memory_space<hbm>>) dst(%dma_wait3A_12 : memref<640x128xf32, #tpu.memory_space<vmem_shared>>)
      tpu.yield
    }) : () -> ()
    "tpu.region"() ({
      %run_scoped3A = tpu.sem_alloc : memref<!tpu.dma_semaphore, #tpu.memory_space<semaphore_mem>>
      %dma_start3A = arith.constant 0 : i32
      %dma_start3A_9 = arith.constant 0 : i32
      %dma_start3A_10 = tpu.memref_slice %arg3[%add3A, %dma_start3A, %dma_start3A_9] : memref<32x105x96xi32, #tpu.memory_space<hbm>> -> memref<1x105x96xi32, #tpu.memory_space<hbm>>
      %dma_start3A_11 = tpu.memref_squeeze %dma_start3A_10 : memref<1x105x96xi32, #tpu.memory_space<hbm>> -> memref<105x96xi32, #tpu.memory_space<hbm>>
      %dma_start3A_12 = arith.constant 0 : i32
      %dma_start3A_13 = arith.constant 0 : i32
      %dma_start3A_14 = tpu.memref_slice %arg3[%add3A, %dma_start3A_12, %dma_start3A_13] : memref<32x105x96xi32, #tpu.memory_space<hbm>> -> memref<1x105x96xi32, #tpu.memory_space<hbm>>
      %dma_start3A_15 = tpu.memref_squeeze %dma_start3A_14 : memref<1x105x96xi32, #tpu.memory_space<hbm>> -> memref<105x96xi32, #tpu.memory_space<hbm>>
      tpu.enqueue_dma source(%dma_start3A_15 : memref<105x96xi32, #tpu.memory_space<hbm>>) target(%arg8 : memref<105x96xi32, #tpu.memory_space<vmem>>) target_semaphore(%run_scoped3A : memref<!tpu.dma_semaphore, #tpu.memory_space<semaphore_mem>>)
      %dma_wait3A = arith.constant 0 : i32
      %dma_wait3A_16 = arith.constant 0 : i32
      %dma_wait3A_17 = tpu.memref_slice %arg3[%add3A, %dma_wait3A, %dma_wait3A_16] : memref<32x105x96xi32, #tpu.memory_space<hbm>> -> memref<1x105x96xi32, #tpu.memory_space<hbm>>
      %dma_wait3A_18 = tpu.memref_squeeze %dma_wait3A_17 : memref<1x105x96xi32, #tpu.memory_space<hbm>> -> memref<105x96xi32, #tpu.memory_space<hbm>>
      %dma_wait3A_19 = arith.constant 0 : i32
      %dma_wait3A_20 = arith.constant 0 : i32
      %dma_wait3A_21 = tpu.memref_slice %arg3[%add3A, %dma_wait3A_19, %dma_wait3A_20] : memref<32x105x96xi32, #tpu.memory_space<hbm>> -> memref<1x105x96xi32, #tpu.memory_space<hbm>>
      %dma_wait3A_22 = tpu.memref_squeeze %dma_wait3A_21 : memref<1x105x96xi32, #tpu.memory_space<hbm>> -> memref<105x96xi32, #tpu.memory_space<hbm>>
      tpu.wait_dma2 semaphore(%run_scoped3A : memref<!tpu.dma_semaphore, #tpu.memory_space<semaphore_mem>>) src(%dma_wait3A_22 : memref<105x96xi32, #tpu.memory_space<hbm>>) dst(%arg8 : memref<105x96xi32, #tpu.memory_space<vmem>>)
      tpu.yield
    }) : () -> ()
    "tpu.region"() ({
      %run_scoped3A = tpu.sem_alloc : memref<!tpu.dma_semaphore, #tpu.memory_space<semaphore_mem>>
      %dma_start3A = arith.constant 0 : i32
      %dma_start3A_9 = arith.constant 0 : i32
      %dma_start3A_10 = tpu.memref_slice %arg4[%add3A, %dma_start3A, %dma_start3A_9] : memref<32x105x96xi32, #tpu.memory_space<hbm>> -> memref<1x105x96xi32, #tpu.memory_space<hbm>>
      %dma_start3A_11 = tpu.memref_squeeze %dma_start3A_10 : memref<1x105x96xi32, #tpu.memory_space<hbm>> -> memref<105x96xi32, #tpu.memory_space<hbm>>
      %dma_start3A_12 = arith.constant 0 : i32
      %dma_start3A_13 = arith.constant 0 : i32
      %dma_start3A_14 = tpu.memref_slice %arg4[%add3A, %dma_start3A_12, %dma_start3A_13] : memref<32x105x96xi32, #tpu.memory_space<hbm>> -> memref<1x105x96xi32, #tpu.memory_space<hbm>>
      %dma_start3A_15 = tpu.memref_squeeze %dma_start3A_14 : memref<1x105x96xi32, #tpu.memory_space<hbm>> -> memref<105x96xi32, #tpu.memory_space<hbm>>
      tpu.enqueue_dma source(%dma_start3A_15 : memref<105x96xi32, #tpu.memory_space<hbm>>) target(%arg9 : memref<105x96xi32, #tpu.memory_space<vmem>>) target_semaphore(%run_scoped3A : memref<!tpu.dma_semaphore, #tpu.memory_space<semaphore_mem>>)
      %dma_wait3A = arith.constant 0 : i32
      %dma_wait3A_16 = arith.constant 0 : i32
      %dma_wait3A_17 = tpu.memref_slice %arg4[%add3A, %dma_wait3A, %dma_wait3A_16] : memref<32x105x96xi32, #tpu.memory_space<hbm>> -> memref<1x105x96xi32, #tpu.memory_space<hbm>>
      %dma_wait3A_18 = tpu.memref_squeeze %dma_wait3A_17 : memref<1x105x96xi32, #tpu.memory_space<hbm>> -> memref<105x96xi32, #tpu.memory_space<hbm>>
      %dma_wait3A_19 = arith.constant 0 : i32
      %dma_wait3A_20 = arith.constant 0 : i32
      %dma_wait3A_21 = tpu.memref_slice %arg4[%add3A, %dma_wait3A_19, %dma_wait3A_20] : memref<32x105x96xi32, #tpu.memory_space<hbm>> -> memref<1x105x96xi32, #tpu.memory_space<hbm>>
      %dma_wait3A_22 = tpu.memref_squeeze %dma_wait3A_21 : memref<1x105x96xi32, #tpu.memory_space<hbm>> -> memref<105x96xi32, #tpu.memory_space<hbm>>
      tpu.wait_dma2 semaphore(%run_scoped3A : memref<!tpu.dma_semaphore, #tpu.memory_space<semaphore_mem>>) src(%dma_wait3A_22 : memref<105x96xi32, #tpu.memory_space<hbm>>) dst(%arg9 : memref<105x96xi32, #tpu.memory_space<vmem>>)
      tpu.yield
    }) : () -> ()
    %barrier3A = arith.constant 0 : index
    tpu.barrier barrier_id(%barrier3A)
    %scan3A = arith.constant 0 : i32
    %scan3A_3 = arith.constant 0 : i32
    %scan3A_4 = arith.constant 105 : i32
    %scan3A_5 = arith.addi %scan3A_3, %scan3A_4 : i32
    %scan3A_6 = arith.constant 1 : i32
    scf.for %scan3A_9 = %scan3A_3 to %scan3A_5 step %scan3A_6  : i32 {
      %dma_start3A = arith.constant 0 : i32
      %dma_start3A_10 = tpu.memref_slice %arg8[%scan3A_9, %dma_start3A] : memref<105x96xi32, #tpu.memory_space<vmem>> -> memref<1x96xi32, #tpu.memory_space<vmem>>
      %dma_start3A_11 = tpu.memref_squeeze %dma_start3A_10 : memref<1x96xi32, #tpu.memory_space<vmem>> -> memref<96xi32, #tpu.memory_space<vmem>>
      %dma_start3A_12 = arith.constant 0 : i32
      %dma_start3A_13 = arith.constant 0 : i32
      %dma_start3A_14 = tpu.memref_slice %arg2[%dma_start3A_12, %dma_start3A_13] : memref<10000x128xf32, #tpu.memory_space<hbm>> -> memref<10000x128xf32, #tpu.memory_space<hbm>>
      tpu.enqueue_indirect_dma source(%dma_start3A_14 : memref<10000x128xf32, #tpu.memory_space<hbm>>) target(%arg10 : memref<96x128xf32, #tpu.memory_space<vmem>>) offsets(%dma_start3A_11 : memref<96xi32, #tpu.memory_space<vmem>>) semaphore(%arg11 : memref<!tpu.dma_semaphore, #tpu.memory_space<semaphore_mem>>)
      %dma_wait3A = arith.constant 0 : i32
      %dma_wait3A_15 = tpu.memref_slice %arg8[%scan3A_9, %dma_wait3A] : memref<105x96xi32, #tpu.memory_space<vmem>> -> memref<1x96xi32, #tpu.memory_space<vmem>>
      %dma_wait3A_16 = tpu.memref_squeeze %dma_wait3A_15 : memref<1x96xi32, #tpu.memory_space<vmem>> -> memref<96xi32, #tpu.memory_space<vmem>>
      %dma_wait3A_17 = arith.constant 0 : i32
      %dma_wait3A_18 = arith.constant 0 : i32
      %dma_wait3A_19 = tpu.memref_slice %arg2[%dma_wait3A_17, %dma_wait3A_18] : memref<10000x128xf32, #tpu.memory_space<hbm>> -> memref<10000x128xf32, #tpu.memory_space<hbm>>
      tpu.wait_indirect_dma semaphore(%arg11 : memref<!tpu.dma_semaphore, #tpu.memory_space<semaphore_mem>>) src(%dma_wait3A_19 : memref<10000x128xf32, #tpu.memory_space<hbm>>) dst(%arg10 : memref<96x128xf32, #tpu.memory_space<vmem>>)
      "tpu.region"() ({
        %run_scoped3A = tpu.sem_alloc : memref<!tpu.dma_semaphore, #tpu.memory_space<semaphore_mem>>
        %dma_start3A_20 = arith.constant 0 : i32
        %dma_start3A_21 = tpu.memref_slice %arg9[%scan3A_9, %dma_start3A_20] : memref<105x96xi32, #tpu.memory_space<vmem>> -> memref<1x96xi32, #tpu.memory_space<vmem>>
        %dma_start3A_22 = tpu.memref_squeeze %dma_start3A_21 : memref<1x96xi32, #tpu.memory_space<vmem>> -> memref<96xi32, #tpu.memory_space<vmem>>
        %dma_start3A_23 = arith.constant 0 : i32
        %dma_start3A_24 = arith.constant 0 : i32
        %dma_start3A_25 = tpu.memref_slice %arg7[%dma_start3A_23, %dma_start3A_24] : memref<10240x128xf32, #tpu.memory_space<vmem_shared>> -> memref<10240x128xf32, #tpu.memory_space<vmem_shared>>
        tpu.enqueue_indirect_dma source(%arg10 : memref<96x128xf32, #tpu.memory_space<vmem>>) target(%dma_start3A_25 : memref<10240x128xf32, #tpu.memory_space<vmem_shared>>) offsets(%dma_start3A_22 : memref<96xi32, #tpu.memory_space<vmem>>) semaphore(%run_scoped3A : memref<!tpu.dma_semaphore, #tpu.memory_space<semaphore_mem>>) {add = true}
        %dma_wait3A_26 = arith.constant 0 : i32
        %dma_wait3A_27 = tpu.memref_slice %arg9[%scan3A_9, %dma_wait3A_26] : memref<105x96xi32, #tpu.memory_space<vmem>> -> memref<1x96xi32, #tpu.memory_space<vmem>>
        %dma_wait3A_28 = tpu.memref_squeeze %dma_wait3A_27 : memref<1x96xi32, #tpu.memory_space<vmem>> -> memref<96xi32, #tpu.memory_space<vmem>>
        %dma_wait3A_29 = arith.constant 0 : i32
        %dma_wait3A_30 = arith.constant 0 : i32
        %dma_wait3A_31 = tpu.memref_slice %arg7[%dma_wait3A_29, %dma_wait3A_30] : memref<10240x128xf32, #tpu.memory_space<vmem_shared>> -> memref<10240x128xf32, #tpu.memory_space<vmem_shared>>
        tpu.wait_indirect_dma semaphore(%run_scoped3A : memref<!tpu.dma_semaphore, #tpu.memory_space<semaphore_mem>>) src(%arg10 : memref<96x128xf32, #tpu.memory_space<vmem>>) dst(%dma_wait3A_31 : memref<10240x128xf32, #tpu.memory_space<vmem_shared>>)
        tpu.yield
      }) : () -> ()
    }
    %scan3A_7 = arith.constant 105 : i32
    %barrier3A_8 = arith.constant 0 : index
    tpu.barrier barrier_id(%barrier3A_8)
    "tpu.region"() ({
      %run_scoped3A = tpu.sem_alloc : memref<!tpu.dma_semaphore, #tpu.memory_space<semaphore_mem>>
      %dma_start3A = arith.constant 0 : i32
      %dma_start3A_9 = tpu.memref_slice %arg6[%arg0, %mul3A_2, %dma_start3A] : memref<2x10240x128xf32, #tpu.memory_space<hbm>> -> memref<1x640x128xf32, #tpu.memory_space<hbm>>
      %dma_start3A_10 = tpu.memref_squeeze %dma_start3A_9 : memref<1x640x128xf32, #tpu.memory_space<hbm>> -> memref<640x128xf32, #tpu.memory_space<hbm>>
      %dma_start3A_11 = arith.constant 0 : i32
      %dma_start3A_12 = tpu.memref_slice %arg7[%mul3A_2, %dma_start3A_11] : memref<10240x128xf32, #tpu.memory_space<vmem_shared>> -> memref<640x128xf32, #tpu.memory_space<vmem_shared>>
      tpu.enqueue_dma source(%dma_start3A_12 : memref<640x128xf32, #tpu.memory_space<vmem_shared>>) target(%dma_start3A_10 : memref<640x128xf32, #tpu.memory_space<hbm>>) target_semaphore(%run_scoped3A : memref<!tpu.dma_semaphore, #tpu.memory_space<semaphore_mem>>)
      %dma_wait3A = arith.constant 0 : i32
      %dma_wait3A_13 = tpu.memref_slice %arg6[%arg0, %mul3A_2, %dma_wait3A] : memref<2x10240x128xf32, #tpu.memory_space<hbm>> -> memref<1x640x128xf32, #tpu.memory_space<hbm>>
      %dma_wait3A_14 = tpu.memref_squeeze %dma_wait3A_13 : memref<1x640x128xf32, #tpu.memory_space<hbm>> -> memref<640x128xf32, #tpu.memory_space<hbm>>
      %dma_wait3A_15 = arith.constant 0 : i32
      %dma_wait3A_16 = tpu.memref_slice %arg7[%mul3A_2, %dma_wait3A_15] : memref<10240x128xf32, #tpu.memory_space<vmem_shared>> -> memref<640x128xf32, #tpu.memory_space<vmem_shared>>
      tpu.wait_dma2 semaphore(%run_scoped3A : memref<!tpu.dma_semaphore, #tpu.memory_space<semaphore_mem>>) src(%dma_wait3A_16 : memref<640x128xf32, #tpu.memory_space<vmem_shared>>) dst(%dma_wait3A_14 : memref<640x128xf32, #tpu.memory_space<hbm>>)
      tpu.yield
    }) : () -> ()
    return
  }
}

module attributes {stable_mosaic.version = 14 : i64} {
  func.func @_tc_body(%arg0: i32, %arg1: i32, %arg2: memref<1x5000x128xf32, #tpu.memory_space<vmem>>, %arg3: memref<1x5000x128xf32, #tpu.memory_space<vmem>>, %arg4: memref<5000x128xi32, #tpu.memory_space<vmem>>, %arg5: memref<128x128xf32, #tpu.memory_space<vmem>>, %arg6: memref<1x128xf32, #tpu.memory_space<vmem>>, %arg7: memref<1x128xf32, #tpu.memory_space<vmem>>, %arg8: memref<1x128xf32, #tpu.memory_space<vmem>>, %arg9: memref<128x128xf32, #tpu.memory_space<vmem>>, %arg10: memref<1x128xf32, #tpu.memory_space<vmem>>, %arg11: memref<128x128xf32, #tpu.memory_space<vmem>>, %arg12: memref<1x128xf32, #tpu.memory_space<vmem>>, %arg13: memref<5000x128xf32, #tpu.memory_space<vmem>>, %arg14: memref<128x128xf32, #tpu.memory_space<vmem>>, %arg15: memref<2x5000x128xf32, #tpu.memory_space<vmem>>, %arg16: memref<2x5000x128xf32, #tpu.memory_space<vmem>>, %arg17: memref<8x128xf32, #tpu.memory_space<vmem>>, %arg18: memref<128x128xf32, #tpu.memory_space<vmem>>, %arg19: memref<128x128xf32, #tpu.memory_space<vmem>>) attributes {dimension_semantics = [#tpu.dimension_semantics<arbitrary>, #tpu.dimension_semantics<arbitrary>], iteration_bounds = array<i64: 2, 2>, scalar_prefetch = 0 : i64, scratch_operands = 5 : i64, tpu.core_type = #tpu.core_type<tc>, window_params = [{transform_indices = @transform_0, window_bounds = array<i64: 1, 5000, 128>}, {transform_indices = @transform_1, window_bounds = array<i64: 1, 5000, 128>}, {transform_indices = @transform_2, window_bounds = array<i64: 5000, 128>}, {pipeline_mode = #tpu.pipeline_mode<synchronous>, transform_indices = @transform_3, window_bounds = array<i64: 128, 128>}, {pipeline_mode = #tpu.pipeline_mode<synchronous>, transform_indices = @transform_4, window_bounds = array<i64: 1, 128>}, {pipeline_mode = #tpu.pipeline_mode<synchronous>, transform_indices = @transform_5, window_bounds = array<i64: 1, 128>}, {pipeline_mode = #tpu.pipeline_mode<synchronous>, transform_indices = @transform_6, window_bounds = array<i64: 1, 128>}, {pipeline_mode = #tpu.pipeline_mode<synchronous>, transform_indices = @transform_7, window_bounds = array<i64: 128, 128>}, {pipeline_mode = #tpu.pipeline_mode<synchronous>, transform_indices = @transform_8, window_bounds = array<i64: 1, 128>}, {pipeline_mode = #tpu.pipeline_mode<synchronous>, transform_indices = @transform_9, window_bounds = array<i64: 128, 128>}, {pipeline_mode = #tpu.pipeline_mode<synchronous>, transform_indices = @transform_10, window_bounds = array<i64: 1, 128>}, {transform_indices = @transform_11, window_bounds = array<i64: 5000, 128>}, {pipeline_mode = #tpu.pipeline_mode<synchronous>, transform_indices = @transform_12, window_bounds = array<i64: 128, 128>}]} {
    %iota3A = tpu.iota {dimensions = array<i32: 1>} : vector<5000x128xi32>
    %get3A = arith.constant 0 : index
    %get3A_0 = arith.constant 0 : index
    %get3A_1 = vector.load %arg4[%get3A, %get3A_0] : memref<5000x128xi32, #tpu.memory_space<vmem>>, vector<5000x128xi32>
    %eq3A = arith.cmpi eq, %get3A_1, %iota3A : vector<5000x128xi32>
    %eq3A_2 = arith.constant 0 : i32
    %eq3A_3 = arith.cmpi eq, %arg0, %eq3A_2 : i32
    %convert_element_type3A = arith.extui %eq3A_3 : i1 to i32
    %cond3A = arith.constant 0 : i32
    %cond3A_4 = arith.cmpi ne, %convert_element_type3A, %cond3A : i32
    scf.if %cond3A_4 {
      %get3A_10 = arith.constant 0 : index
      %get3A_11 = arith.constant 0 : index
      %get3A_12 = arith.constant 0 : index
      %get3A_13 = vector.load %arg2[%get3A_10, %get3A_11, %get3A_12] : memref<1x5000x128xf32, #tpu.memory_space<vmem>>, vector<1x5000x128xf32>
      %get3A_14 = vector.shape_cast %get3A_13 : vector<1x5000x128xf32> to vector<5000x128xf32>
      %get3A_15 = arith.constant 0 : index
      %get3A_16 = arith.constant 0 : index
      %get3A_17 = arith.constant 0 : index
      %get3A_18 = vector.load %arg3[%get3A_15, %get3A_16, %get3A_17] : memref<1x5000x128xf32, #tpu.memory_space<vmem>>, vector<1x5000x128xf32>
      %get3A_19 = vector.shape_cast %get3A_18 : vector<1x5000x128xf32> to vector<5000x128xf32>
      %add3A = arith.addf %get3A_14, %get3A_19 : vector<5000x128xf32>
      %get3A_20 = arith.constant 0 : index
      %get3A_21 = arith.constant 0 : index
      %get3A_22 = vector.load %arg5[%get3A_20, %get3A_21] : memref<128x128xf32, #tpu.memory_space<vmem>>, vector<128x128xf32>
      %dot_general3A = arith.constant dense<0.000000e+00> : vector<5000x128xf32>
      %dot_general3A_23 = tpu.matmul %add3A, %get3A_22, %dot_general3A {dimension_numbers = #tpu.dot_dimension_numbers<[1], [0], [0], [1], [0, 0, 1, 1], [], []>, transpose_lhs_hint = false} : vector<5000x128xf32>, vector<128x128xf32>, vector<5000x128xf32> -> vector<5000x128xf32>
      %get3A_24 = arith.constant 0 : index
      %get3A_25 = arith.constant 0 : index
      %get3A_26 = vector.load %arg6[%get3A_24, %get3A_25] : memref<1x128xf32, #tpu.memory_space<vmem>>, vector<1x128xf32>
      %add3A_27 = vector.broadcast %get3A_26 : vector<1x128xf32> to vector<5000x128xf32>
      %add3A_28 = arith.addf %dot_general3A_23, %add3A_27 : vector<5000x128xf32>
      %max3A = arith.constant 0.000000e+00 : f32
      %max3A_29 = vector.broadcast %max3A : f32 to vector<5000x128xf32>
      %max3A_30 = arith.maximumf %add3A_28, %max3A_29 : vector<5000x128xf32>
      %swap3A = arith.index_cast %arg1 : i32 to index
      %swap3A_31 = arith.constant 0 : index
      %swap3A_32 = arith.constant 0 : index
      %swap3A_33 = vector.load %arg15[%swap3A, %swap3A_31, %swap3A_32] : memref<2x5000x128xf32, #tpu.memory_space<vmem>>, vector<1x5000x128xf32>
      %swap3A_34 = vector.shape_cast %swap3A_33 : vector<1x5000x128xf32> to vector<5000x128xf32>
      %swap3A_35 = vector.shape_cast %max3A_30 : vector<5000x128xf32> to vector<1x5000x128xf32>
      tpu.vector_store %arg15[%swap3A, %swap3A_31, %swap3A_32], %swap3A_35 {strides = array<i32>} : memref<2x5000x128xf32, #tpu.memory_space<vmem>>, vector<1x5000x128xf32>,
      %get3A_36 = arith.constant 0 : index
      %get3A_37 = arith.constant 0 : index
      %get3A_38 = vector.load %arg7[%get3A_36, %get3A_37] : memref<1x128xf32, #tpu.memory_space<vmem>>, vector<1x128xf32>
      %mul3A = vector.broadcast %get3A_38 : vector<1x128xf32> to vector<5000x128xf32>
      %mul3A_39 = arith.mulf %add3A, %mul3A : vector<5000x128xf32>
      %reduce_sum3A = arith.constant dense<0.000000e+00> : vector<5000xf32>
      %reduce_sum3A_40 = vector.multi_reduction <add>, %mul3A_39, %reduce_sum3A [1] : vector<5000x128xf32> to vector<5000xf32>
      %broadcast_in_dim3A = vector.shape_cast %reduce_sum3A_40 : vector<5000xf32> to vector<5000x1xf32>
      %get3A_41 = arith.constant 0 : index
      %get3A_42 = arith.constant 0 : index
      %get3A_43 = vector.load %arg8[%get3A_41, %get3A_42] : memref<1x128xf32, #tpu.memory_space<vmem>>, vector<1x128xf32>
      %add3A_44 = vector.broadcast %broadcast_in_dim3A : vector<5000x1xf32> to vector<5000x128xf32>
      %add3A_45 = vector.broadcast %get3A_43 : vector<1x128xf32> to vector<5000x128xf32>
      %add3A_46 = arith.addf %add3A_44, %add3A_45 : vector<5000x128xf32>
      %logistic3A = arith.negf %add3A_46 : vector<5000x128xf32>
      %logistic3A_47 = math.exp %logistic3A : vector<5000x128xf32>
      %logistic3A_48 = arith.constant 1.000000e+00 : f32
      %logistic3A_49 = vector.broadcast %logistic3A_48 : f32 to vector<5000x128xf32>
      %logistic3A_50 = arith.addf %logistic3A_49, %logistic3A_47 : vector<5000x128xf32>
      %logistic3A_51 = arith.divf %logistic3A_49, %logistic3A_50 : vector<5000x128xf32>
      %swap3A_52 = arith.index_cast %arg1 : i32 to index
      %swap3A_53 = arith.constant 0 : index
      %swap3A_54 = arith.constant 0 : index
      %swap3A_55 = vector.load %arg16[%swap3A_52, %swap3A_53, %swap3A_54] : memref<2x5000x128xf32, #tpu.memory_space<vmem>>, vector<1x5000x128xf32>
      %swap3A_56 = vector.shape_cast %swap3A_55 : vector<1x5000x128xf32> to vector<5000x128xf32>
      %swap3A_57 = vector.shape_cast %logistic3A_51 : vector<5000x128xf32> to vector<1x5000x128xf32>
      tpu.vector_store %arg16[%swap3A_52, %swap3A_53, %swap3A_54], %swap3A_57 {strides = array<i32>} : memref<2x5000x128xf32, #tpu.memory_space<vmem>>, vector<1x5000x128xf32>,
      %jit3A = arith.constant 0xFF800000 : f32
      %broadcast_in_dim3A_58 = vector.broadcast %jit3A : f32 to vector<5000x128xf32>
      %select_n3A = arith.select %eq3A, %logistic3A_51, %broadcast_in_dim3A_58 : vector<5000x128xi1>, vector<5000x128xf32>
      %reduce_max3A = arith.constant dense<0xFF800000> : vector<128xf32>
      %reduce_max3A_59 = vector.multi_reduction <maximumf>, %select_n3A, %reduce_max3A [0] : vector<5000x128xf32> to vector<128xf32>
      %broadcast_in_dim3A_60 = vector.shape_cast %reduce_max3A_59 : vector<128xf32> to vector<1x128xf32>
      %eq3A_61 = arith.constant 0 : i32
      %eq3A_62 = arith.cmpi eq, %arg1, %eq3A_61 : i32
      %convert_element_type3A_63 = arith.extui %eq3A_62 : i1 to i32
      %cond3A_64 = arith.constant 0 : i32
      %cond3A_65 = arith.cmpi ne, %convert_element_type3A_63, %cond3A_64 : i32
      scf.if %cond3A_65 {
        %broadcast_in_dim3A_75 = arith.constant 0xFF800000 : f32
        %broadcast_in_dim3A_76 = vector.broadcast %broadcast_in_dim3A_75 : f32 to vector<8x128xf32>
        %swap3A_77 = arith.constant 0 : index
        %swap3A_78 = arith.constant 0 : index
        %swap3A_79 = vector.load %arg17[%swap3A_77, %swap3A_78] : memref<8x128xf32, #tpu.memory_space<vmem>>, vector<8x128xf32>
        tpu.vector_store %arg17[%swap3A_77, %swap3A_78], %broadcast_in_dim3A_76 {strides = array<i32>} : memref<8x128xf32, #tpu.memory_space<vmem>>, vector<8x128xf32>,
      } else {
      }
      %get3A_66 = arith.constant 0 : index
      %get3A_67 = arith.constant 0 : index
      %get3A_68 = vector.load %arg17[%get3A_66, %get3A_67] : memref<8x128xf32, #tpu.memory_space<vmem>>, vector<8x128xf32>
      %broadcast_in_dim3A_69 = vector.shape_cast %broadcast_in_dim3A_60 : vector<1x128xf32> to vector<1x128xf32>
      %broadcast_in_dim3A_70 = vector.broadcast %broadcast_in_dim3A_69 : vector<1x128xf32> to vector<8x128xf32>
      %max3A_71 = arith.maximumf %get3A_68, %broadcast_in_dim3A_70 : vector<8x128xf32>
      %swap3A_72 = arith.constant 0 : index
      %swap3A_73 = arith.constant 0 : index
      %swap3A_74 = vector.load %arg17[%swap3A_72, %swap3A_73] : memref<8x128xf32, #tpu.memory_space<vmem>>, vector<8x128xf32>
      tpu.vector_store %arg17[%swap3A_72, %swap3A_73], %max3A_71 {strides = array<i32>} : memref<8x128xf32, #tpu.memory_space<vmem>>, vector<8x128xf32>,
    } else {
    }
    %eq3A_5 = arith.constant 1 : i32
    %eq3A_6 = arith.cmpi eq, %arg0, %eq3A_5 : i32
    %convert_element_type3A_7 = arith.extui %eq3A_6 : i1 to i32
    %cond3A_8 = arith.constant 0 : i32
    %cond3A_9 = arith.cmpi ne, %convert_element_type3A_7, %cond3A_8 : i32
    scf.if %cond3A_9 {
      %convert_element_type3A_10 = arith.extui %eq3A : vector<5000x128xi1> to vector<5000x128xi32>
      %convert_element_type3A_11 = arith.sitofp %convert_element_type3A_10 : vector<5000x128xi32> to vector<5000x128xf32>
      %get3A_12 = arith.constant 0 : index
      %get3A_13 = arith.constant 0 : index
      %get3A_14 = vector.load %arg17[%get3A_12, %get3A_13] : memref<8x128xf32, #tpu.memory_space<vmem>>, vector<1x128xf32>
      %broadcast_in_dim3A = vector.shape_cast %get3A_14 : vector<1x128xf32> to vector<1x128xf32>
      %broadcast_in_dim3A_15 = vector.broadcast %broadcast_in_dim3A : vector<1x128xf32> to vector<5000x128xf32>
      %jit3A = arith.constant 0.000000e+00 : f32
      %broadcast_in_dim3A_16 = vector.broadcast %jit3A : f32 to vector<5000x128xf32>
      %select_n3A = arith.select %eq3A, %broadcast_in_dim3A_15, %broadcast_in_dim3A_16 : vector<5000x128xi1>, vector<5000x128xf32>
      %reduce_sum3A = arith.constant dense<0.000000e+00> : vector<5000xf32>
      %reduce_sum3A_17 = vector.multi_reduction <add>, %select_n3A, %reduce_sum3A [1] : vector<5000x128xf32> to vector<5000xf32>
      %broadcast_in_dim3A_18 = vector.shape_cast %reduce_sum3A_17 : vector<5000xf32> to vector<5000x1xf32>
      %get3A_19 = arith.index_cast %arg1 : i32 to index
      %get3A_20 = arith.constant 0 : index
      %get3A_21 = arith.constant 0 : index
      %get3A_22 = vector.load %arg16[%get3A_19, %get3A_20, %get3A_21] : memref<2x5000x128xf32, #tpu.memory_space<vmem>>, vector<1x5000x128xf32>
      %get3A_23 = vector.shape_cast %get3A_22 : vector<1x5000x128xf32> to vector<5000x128xf32>
      %slice3A = vector.extract_strided_slice %get3A_23 {offsets = [0, 0], sizes = [5000, 1], strides = [1, 1]} : vector<5000x128xf32> to vector<5000x1xf32>
      %mul3A = arith.constant 1.000000e+01 : f32
      %mul3A_24 = vector.broadcast %mul3A : f32 to vector<5000x1xf32>
      %mul3A_25 = arith.mulf %broadcast_in_dim3A_18, %mul3A_24 : vector<5000x1xf32>
      %div3A = arith.divf %slice3A, %mul3A_25 : vector<5000x1xf32>
      %add3A = arith.constant 0.899999976 : f32
      %add3A_26 = vector.broadcast %add3A : f32 to vector<5000x1xf32>
      %add3A_27 = arith.addf %div3A, %add3A_26 : vector<5000x1xf32>
      %get3A_28 = arith.index_cast %arg1 : i32 to index
      %get3A_29 = arith.constant 0 : index
      %get3A_30 = arith.constant 0 : index
      %get3A_31 = vector.load %arg15[%get3A_28, %get3A_29, %get3A_30] : memref<2x5000x128xf32, #tpu.memory_space<vmem>>, vector<1x5000x128xf32>
      %get3A_32 = vector.shape_cast %get3A_31 : vector<1x5000x128xf32> to vector<5000x128xf32>
      %mul3A_33 = vector.broadcast %add3A_27 : vector<5000x1xf32> to vector<5000x128xf32>
      %mul3A_34 = arith.mulf %get3A_32, %mul3A_33 : vector<5000x128xf32>
      %swap3A = arith.constant 0 : index
      %swap3A_35 = arith.constant 0 : index
      %swap3A_36 = vector.load %arg13[%swap3A, %swap3A_35] : memref<5000x128xf32, #tpu.memory_space<vmem>>, vector<5000x128xf32>
      tpu.vector_store %arg13[%swap3A, %swap3A_35], %mul3A_34 {strides = array<i32>} : memref<5000x128xf32, #tpu.memory_space<vmem>>, vector<5000x128xf32>,
      %eq3A_37 = arith.constant 0 : i32
      %eq3A_38 = arith.cmpi eq, %arg1, %eq3A_37 : i32
      %convert_element_type3A_39 = arith.extui %eq3A_38 : i1 to i32
      %cond3A_40 = arith.constant 0 : i32
      %cond3A_41 = arith.cmpi ne, %convert_element_type3A_39, %cond3A_40 : i32
      scf.if %cond3A_41 {
        %broadcast_in_dim3A_66 = arith.constant 0.000000e+00 : f32
        %broadcast_in_dim3A_67 = vector.broadcast %broadcast_in_dim3A_66 : f32 to vector<128x128xf32>
        %swap3A_68 = arith.constant 0 : index
        %swap3A_69 = arith.constant 0 : index
        %swap3A_70 = vector.load %arg18[%swap3A_68, %swap3A_69] : memref<128x128xf32, #tpu.memory_space<vmem>>, vector<128x128xf32>
        tpu.vector_store %arg18[%swap3A_68, %swap3A_69], %broadcast_in_dim3A_67 {strides = array<i32>} : memref<128x128xf32, #tpu.memory_space<vmem>>, vector<128x128xf32>,
        %broadcast_in_dim3A_71 = arith.constant 0.000000e+00 : f32
        %broadcast_in_dim3A_72 = vector.broadcast %broadcast_in_dim3A_71 : f32 to vector<128x128xf32>
        %swap3A_73 = arith.constant 0 : index
        %swap3A_74 = arith.constant 0 : index
        %swap3A_75 = vector.load %arg19[%swap3A_73, %swap3A_74] : memref<128x128xf32, #tpu.memory_space<vmem>>, vector<128x128xf32>
        tpu.vector_store %arg19[%swap3A_73, %swap3A_74], %broadcast_in_dim3A_72 {strides = array<i32>} : memref<128x128xf32, #tpu.memory_space<vmem>>, vector<128x128xf32>,
      } else {
      }
      %get3A_42 = arith.constant 0 : index
      %get3A_43 = arith.constant 0 : index
      %get3A_44 = vector.load %arg18[%get3A_42, %get3A_43] : memref<128x128xf32, #tpu.memory_space<vmem>>, vector<128x128xf32>
      %dot_general3A = arith.constant dense<0.000000e+00> : vector<128x128xf32>
      %dot_general3A_45 = tpu.matmul %convert_element_type3A_11, %mul3A_34, %dot_general3A {dimension_numbers = #tpu.dot_dimension_numbers<[0], [0], [1], [1], [0, 1, 1, 1], [], []>, transpose_lhs_hint = false} : vector<5000x128xf32>, vector<5000x128xf32>, vector<128x128xf32> -> vector<128x128xf32>
      %add3A_46 = arith.addf %get3A_44, %dot_general3A_45 : vector<128x128xf32>
      %swap3A_47 = arith.constant 0 : index
      %swap3A_48 = arith.constant 0 : index
      %swap3A_49 = vector.load %arg18[%swap3A_47, %swap3A_48] : memref<128x128xf32, #tpu.memory_space<vmem>>, vector<128x128xf32>
      tpu.vector_store %arg18[%swap3A_47, %swap3A_48], %add3A_46 {strides = array<i32>} : memref<128x128xf32, #tpu.memory_space<vmem>>, vector<128x128xf32>,
      %get3A_50 = arith.constant 0 : index
      %get3A_51 = arith.constant 0 : index
      %get3A_52 = vector.load %arg19[%get3A_50, %get3A_51] : memref<128x128xf32, #tpu.memory_space<vmem>>, vector<128x128xf32>
      %broadcast_in_dim3A_53 = arith.constant 1.000000e+00 : f32
      %broadcast_in_dim3A_54 = vector.broadcast %broadcast_in_dim3A_53 : f32 to vector<5000x128xf32>
      %dot_general3A_55 = arith.constant dense<0.000000e+00> : vector<128x128xf32>
      %dot_general3A_56 = tpu.matmul %convert_element_type3A_11, %broadcast_in_dim3A_54, %dot_general3A_55 {dimension_numbers = #tpu.dot_dimension_numbers<[0], [0], [1], [1], [0, 1, 1, 1], [], []>, transpose_lhs_hint = false} : vector<5000x128xf32>, vector<5000x128xf32>, vector<128x128xf32> -> vector<128x128xf32>
      %add3A_57 = arith.addf %get3A_52, %dot_general3A_56 : vector<128x128xf32>
      %swap3A_58 = arith.constant 0 : index
      %swap3A_59 = arith.constant 0 : index
      %swap3A_60 = vector.load %arg19[%swap3A_58, %swap3A_59] : memref<128x128xf32, #tpu.memory_space<vmem>>, vector<128x128xf32>
      tpu.vector_store %arg19[%swap3A_58, %swap3A_59], %add3A_57 {strides = array<i32>} : memref<128x128xf32, #tpu.memory_space<vmem>>, vector<128x128xf32>,
      %eq3A_61 = arith.constant 1 : i32
      %eq3A_62 = arith.cmpi eq, %arg1, %eq3A_61 : i32
      %convert_element_type3A_63 = arith.extui %eq3A_62 : i1 to i32
      %cond3A_64 = arith.constant 0 : i32
      %cond3A_65 = arith.cmpi ne, %convert_element_type3A_63, %cond3A_64 : i32
      scf.if %cond3A_65 {
        %get3A_66 = arith.constant 0 : index
        %get3A_67 = arith.constant 0 : index
        %get3A_68 = vector.load %arg18[%get3A_66, %get3A_67] : memref<128x128xf32, #tpu.memory_space<vmem>>, vector<128x128xf32>
        %get3A_69 = arith.constant 0 : index
        %get3A_70 = arith.constant 0 : index
        %get3A_71 = vector.load %arg19[%get3A_69, %get3A_70] : memref<128x128xf32, #tpu.memory_space<vmem>>, vector<128x128xf32>
        %max3A = arith.constant 1.000000e+00 : f32
        %max3A_72 = vector.broadcast %max3A : f32 to vector<128x128xf32>
        %max3A_73 = arith.maximumf %get3A_71, %max3A_72 : vector<128x128xf32>
        %div3A_74 = arith.divf %get3A_68, %max3A_73 : vector<128x128xf32>
        %get3A_75 = arith.constant 0 : index
        %get3A_76 = arith.constant 0 : index
        %get3A_77 = vector.load %arg9[%get3A_75, %get3A_76] : memref<128x128xf32, #tpu.memory_space<vmem>>, vector<128x128xf32>
        %dot_general3A_78 = arith.constant dense<0.000000e+00> : vector<128x128xf32>
        %dot_general3A_79 = tpu.matmul %div3A_74, %get3A_77, %dot_general3A_78 {dimension_numbers = #tpu.dot_dimension_numbers<[1], [0], [0], [1], [0, 0, 1, 1], [], []>, transpose_lhs_hint = false} : vector<128x128xf32>, vector<128x128xf32>, vector<128x128xf32> -> vector<128x128xf32>
        %get3A_80 = arith.constant 0 : index
        %get3A_81 = arith.constant 0 : index
        %get3A_82 = vector.load %arg10[%get3A_80, %get3A_81] : memref<1x128xf32, #tpu.memory_space<vmem>>, vector<1x128xf32>
        %add3A_83 = vector.broadcast %get3A_82 : vector<1x128xf32> to vector<128x128xf32>
        %add3A_84 = arith.addf %dot_general3A_79, %add3A_83 : vector<128x128xf32>
        %max3A_85 = arith.constant 0.000000e+00 : f32
        %max3A_86 = vector.broadcast %max3A_85 : f32 to vector<128x128xf32>
        %max3A_87 = arith.maximumf %add3A_84, %max3A_86 : vector<128x128xf32>
        %get3A_88 = arith.constant 0 : index
        %get3A_89 = arith.constant 0 : index
        %get3A_90 = vector.load %arg11[%get3A_88, %get3A_89] : memref<128x128xf32, #tpu.memory_space<vmem>>, vector<128x128xf32>
        %dot_general3A_91 = arith.constant dense<0.000000e+00> : vector<128x128xf32>
        %dot_general3A_92 = tpu.matmul %max3A_87, %get3A_90, %dot_general3A_91 {dimension_numbers = #tpu.dot_dimension_numbers<[1], [0], [0], [1], [0, 0, 1, 1], [], []>, transpose_lhs_hint = false} : vector<128x128xf32>, vector<128x128xf32>, vector<128x128xf32> -> vector<128x128xf32>
        %get3A_93 = arith.constant 0 : index
        %get3A_94 = arith.constant 0 : index
        %get3A_95 = vector.load %arg12[%get3A_93, %get3A_94] : memref<1x128xf32, #tpu.memory_space<vmem>>, vector<1x128xf32>
        %add3A_96 = vector.broadcast %get3A_95 : vector<1x128xf32> to vector<128x128xf32>
        %add3A_97 = arith.addf %dot_general3A_92, %add3A_96 : vector<128x128xf32>
        %swap3A_98 = arith.constant 0 : index
        %swap3A_99 = arith.constant 0 : index
        %swap3A_100 = vector.load %arg14[%swap3A_98, %swap3A_99] : memref<128x128xf32, #tpu.memory_space<vmem>>, vector<128x128xf32>
        tpu.vector_store %arg14[%swap3A_98, %swap3A_99], %add3A_97 {strides = array<i32>} : memref<128x128xf32, #tpu.memory_space<vmem>>, vector<128x128xf32>,
      } else {
      }
    } else {
    }
    return
  }
  func.func @transform_0(%arg0: i32, %arg1: i32) -> (i32, i32, i32) {
    %sub3A = arith.constant 1 : i32
    %sub3A_0 = arith.subi %sub3A, %arg0 : i32
    %mul3A = arith.muli %arg1, %sub3A_0 : i32
    %c0_i32 = arith.constant 0 : i32
    %c0_i32_1 = arith.constant 0 : i32
    %c0_i32_2 = arith.constant 0 : i32
    return %c0_i32, %mul3A, %c0_i32_1 : i32, i32, i32
  }
  func.func @transform_1(%arg0: i32, %arg1: i32) -> (i32, i32, i32) {
    %sub3A = arith.constant 1 : i32
    %sub3A_0 = arith.subi %sub3A, %arg0 : i32
    %mul3A = arith.muli %arg1, %sub3A_0 : i32
    %c1_i32 = arith.constant 1 : i32
    %c0_i32 = arith.constant 0 : i32
    %c0_i32_1 = arith.constant 0 : i32
    return %c1_i32, %mul3A, %c0_i32 : i32, i32, i32
  }
  func.func @transform_2(%arg0: i32, %arg1: i32) -> (i32, i32) {
    %c0_i32 = arith.constant 0 : i32
    %c0_i32_0 = arith.constant 0 : i32
    return %arg1, %c0_i32 : i32, i32
  }
  func.func @transform_3(%arg0: i32, %arg1: i32) -> (i32, i32) {
    %c0_i32 = arith.constant 0 : i32
    %c0_i32_0 = arith.constant 0 : i32
    %c0_i32_1 = arith.constant 0 : i32
    return %c0_i32, %c0_i32_0 : i32, i32
  }
  func.func @transform_4(%arg0: i32, %arg1: i32) -> (i32, i32) {
    %c0_i32 = arith.constant 0 : i32
    %c0_i32_0 = arith.constant 0 : i32
    %c0_i32_1 = arith.constant 0 : i32
    return %c0_i32, %c0_i32_0 : i32, i32
  }
  func.func @transform_5(%arg0: i32, %arg1: i32) -> (i32, i32) {
    %c0_i32 = arith.constant 0 : i32
    %c0_i32_0 = arith.constant 0 : i32
    %c0_i32_1 = arith.constant 0 : i32
    return %c0_i32, %c0_i32_0 : i32, i32
  }
  func.func @transform_6(%arg0: i32, %arg1: i32) -> (i32, i32) {
    %c0_i32 = arith.constant 0 : i32
    %c0_i32_0 = arith.constant 0 : i32
    %c0_i32_1 = arith.constant 0 : i32
    return %c0_i32, %c0_i32_0 : i32, i32
  }
  func.func @transform_7(%arg0: i32, %arg1: i32) -> (i32, i32) {
    %c0_i32 = arith.constant 0 : i32
    %c0_i32_0 = arith.constant 0 : i32
    %c0_i32_1 = arith.constant 0 : i32
    return %c0_i32, %c0_i32_0 : i32, i32
  }
  func.func @transform_8(%arg0: i32, %arg1: i32) -> (i32, i32) {
    %c0_i32 = arith.constant 0 : i32
    %c0_i32_0 = arith.constant 0 : i32
    %c0_i32_1 = arith.constant 0 : i32
    return %c0_i32, %c0_i32_0 : i32, i32
  }
  func.func @transform_9(%arg0: i32, %arg1: i32) -> (i32, i32) {
    %c0_i32 = arith.constant 0 : i32
    %c0_i32_0 = arith.constant 0 : i32
    %c0_i32_1 = arith.constant 0 : i32
    return %c0_i32, %c0_i32_0 : i32, i32
  }
  func.func @transform_10(%arg0: i32, %arg1: i32) -> (i32, i32) {
    %c0_i32 = arith.constant 0 : i32
    %c0_i32_0 = arith.constant 0 : i32
    %c0_i32_1 = arith.constant 0 : i32
    return %c0_i32, %c0_i32_0 : i32, i32
  }
  func.func @transform_11(%arg0: i32, %arg1: i32) -> (i32, i32) {
    %mul3A = arith.muli %arg1, %arg0 : i32
    %c0_i32 = arith.constant 0 : i32
    %c0_i32_0 = arith.constant 0 : i32
    return %mul3A, %c0_i32 : i32, i32
  }
  func.func @transform_12(%arg0: i32, %arg1: i32) -> (i32, i32) {
    %c0_i32 = arith.constant 0 : i32
    %c0_i32_0 = arith.constant 0 : i32
    %c0_i32_1 = arith.constant 0 : i32
    return %c0_i32, %c0_i32_0 : i32, i32
  }
}

</mosaic_0001>

<sc_bundles>
// kernel: kernel.4.cloned.1.call-start
scs
__scs_entry_jumppad:
0x0: {  	(pc) =	sbr.rel $0x88, $3  }
0x1: {  	(tag) =	ssettag $0x0;
	lr =	simm.s32 $0x1  }
0x2: {  	[smem:$0x3F96] =	sst lr;
	_ =	strace $0xD0000000  }
0x3: {  	_ = 	snop  }
0x4: {  	_ = 	snop  }
0x5: {  	_ = 	snop  }
0x6: {  	_ = 	snop  }
0x7: {  	_ = 	snop  }
__scs_overlays_trampoline_lowered:
0x8: {  	[smem:$0x3FA5] =	sst s0  }
0x9: {  	[smem:$0x3FA6] =	sst s1  }
0xa: {  	[smem:$0x3FA7] =	sst s2  }
0xb: {  	[smem:$0x3FA8] =	sst s3  }
0xc: {  	[smem:$0x3FA9] =	sst s4  }
0xd: {  	[smem:$0x3FAA] =	sst s5  }
0xe: {  	[smem:$0x3FAB] =	sst s6  }
0xf: {  	[smem:$0x3FAC] =	sst s7  }
0x10: {  	[smem:$0x3FAD] =	sst s8  }
0x11: {  	[smem:$0x3FAE] =	sst s9;
	s0 =	simm.s32 @!p0 $0x0  }
0x12: {  	s1 =	sld [smem:$0x3F94];
	s0 =	simm.s32 @p0 $0x1  }
0x13: {  	[smem:$0x3FAF] =	sst s0;
	s0 =	simm.s32 @!p1 $0x0  }
0x14: {  	s2 =	sld [smem:$0x3F93];
	s0 =	simm.s32 @p1 $0x1  }
0x15: {  	[smem:$0x3FB0] =	sst s0;
	s0 =	simm.s32 @!p2 $0x0  }
0x16: {  	s3 =	sld [smem:$0x3FDB];
	s0 =	simm.s32 @p2 $0x1  }
0x17: {  	s4 =	simm.s32 $0x1BF5;
	[smem:$0x3FB2] =	sst s0  }
0x18: {  	s0 =	sld [smem:$0x3F95];
	_ =	swait.ge [sflag:s4], $0x0  }
0x19: {  	s7 =	sld [smem:$0x3F96]  }
0x1a: {  	s8 =	sadd.s32 $0xFFFFE003, lr  }
0x1b: {  	s9 =	sadd.s32 $0xFFFFFEF7, lr;
	s5 =	simm.s32 $0xFFFFFFFF;
	p2 =	slt.u32 s8, $0xFFFFF086  }
0x1c: {  	p1 =	slt.u32 s9, $0xF7A;
	s5 =	simm.s32 @!p2 $0x0  }
0x1d: {  	s5 =	simm.s32 @p1 $0x1;
	p0 =	seq.s32 s7, s2  }
0x1e: {  	s7 =	smul.u32 @!p0 $0xF7A, s2;
	p2 =	seq.s32 @!p0 s5, $0x0  }
0x1f: {  	s9 =	smul.u32 $0xF7A, s1;
	s8 =	simm.s32 @!p0 $0x1BF5;
	p2 =	por !p2, p0  }
0x20: {  	[sflag:s8] =	ssyncset.s32 @!p0 $0xFFFFF086;
	s6 =	sadd.s32 @!p0 s3, s7;
	s7 =	simm.s32 @!p0 $0x108  }
0x21: {  	s3 =	sadd.s32 s3, s9;
	s6 =	sadd.s32 @!p0 $0x88, s6;
	s7 =	simm.s32 @p2 $0x1082  }
0x22: {  	[simem:s7], [sflag:s8] =	dma.local @!p0 [hbm:s6], $0xF7A  }
0x23: {  	s9 =	sor.u32 $0xD0000000, s2;
	s6 =	simm.s32 $0x108;
	_ =	swait.ge @!p0 [sflag:s8], $0x0  }
0x24: {  	s3 =	sadd.s32 $0x88, s3;
	s6 =	simm.s32 @!p1 $0x1082;
	[sflag:s4] =	ssyncset.s32 $0xFFFFF086  }
0x25: {  	[simem:s6], [sflag:s4] =	dma.local [hbm:s3], $0xF7A  }
0x26: {  	[smem:$0x3F96] =	sst s1;
	(tag) =	ssettag s2;
	_ =	strace s9  }
0x27: {  	s1 =	sld [smem:$0x3FA6]  }
0x28: {  	s2 =	sld [smem:$0x3FA7]  }
0x29: {  	s4 =	sld [smem:$0x3FA9]  }
0x2a: {  	p0 =	seq.s32 s5, $0x0;
	s5 =	sld [smem:$0x3FAA]  }
0x2b: {  	s6 =	sld [smem:$0x3FAB]  }
0x2c: {  	s7 =	sld [smem:$0x3FAC]  }
0x2d: {  	s3 =	simm.s32 $0x108;
	s8 =	sld [smem:$0x3FAD]  }
0x2e: {  	s3 =	simm.s32 @!p0 $0x1082;
	s9 =	sld [smem:$0x3FAE]  }
0x2f: {  	lr =	sadd.s32 s0, s3;
	s0 =	sld [smem:$0x3FA5]  }
0x30: {  	s3 =	sld [smem:$0x3FA8]  }
0x31: {  	[smem:$0x3FB1] =	sst s10  }
0x32: {  	s10 =	sld [smem:$0x3FAF];
	_ =	sdelay $0x3  }
0x33: {  	p0 =	seq.s32 s10, $0x1;
	s10 =	sld [smem:$0x3FB1];
	_ =	sdelay $0x3  }
0x34: {  	[smem:$0x3FB1] =	sst s10  }
0x35: {  	s10 =	sld [smem:$0x3FB0];
	_ =	sdelay $0x3  }
0x36: {  	p1 =	seq.s32 s10, $0x1;
	s10 =	sld [smem:$0x3FB1];
	_ =	sdelay $0x3  }
0x37: {  	[smem:$0x3FB1] =	sst s10  }
0x38: {  	s10 =	sld [smem:$0x3FB2]  }
0x39: {  	_ = 	snop;
	(pc) =	sbr.ind lr, $3  }
0x3a: {  	_ = 	snop  }
0x3b: {  	_ = 	snop  }
0x3c: {  	p2 =	seq.s32 s10, $0x1;
	s10 =	sld [smem:$0x3FB1]  }
0x3d: {  	_ =	shalt  }
0x3e: {  	_ =	shalt  }
0x3f: {  	_ =	shalt  }
0x40: {  	_ =	shalt  }
0x41: {  	_ =	shalt  }
0x42: {  	_ =	shalt  }
0x43: {  	_ =	shalt  }
0x44: {  	_ =	shalt  }
0x45: {  	_ =	shalt  }
0x46: {  	_ =	shalt  }
0x47: {  	_ =	shalt  }
0x48: {  	_ =	shalt  }
0x49: {  	_ =	shalt  }
0x4a: {  	_ =	shalt  }
0x4b: {  	_ =	shalt  }
0x4c: {  	_ =	shalt  }
0x4d: {  	_ =	shalt  }
0x4e: {  	_ =	shalt  }
0x4f: {  	_ =	shalt  }
0x50: {  	_ =	shalt  }
0x51: {  	_ =	shalt  }
0x52: {  	_ =	shalt  }
0x53: {  	_ =	shalt  }
0x54: {  	_ =	shalt  }
0x55: {  	_ =	shalt  }
0x56: {  	_ =	shalt  }
0x57: {  	_ =	shalt  }
0x58: {  	_ =	shalt  }
0x59: {  	_ =	shalt  }
0x5a: {  	_ =	shalt  }
0x5b: {  	_ =	shalt  }
0x5c: {  	_ =	shalt  }
0x5d: {  	_ =	shalt  }
0x5e: {  	_ =	shalt  }
0x5f: {  	_ =	shalt  }
0x60: {  	_ =	shalt  }
0x61: {  	_ =	shalt  }
0x62: {  	_ =	shalt  }
0x63: {  	_ =	shalt  }
0x64: {  	_ =	shalt  }
0x65: {  	_ =	shalt  }
0x66: {  	_ =	shalt  }
0x67: {  	_ =	shalt  }
0x68: {  	_ =	shalt  }
0x69: {  	_ =	shalt  }
0x6a: {  	_ =	shalt  }
0x6b: {  	_ =	shalt  }
0x6c: {  	_ =	shalt  }
0x6d: {  	_ =	shalt  }
0x6e: {  	_ =	shalt  }
0x6f: {  	_ =	shalt  }
0x70: {  	_ =	shalt  }
0x71: {  	_ =	shalt  }
0x72: {  	_ =	shalt  }
0x73: {  	_ =	shalt  }
0x74: {  	_ =	shalt  }
0x75: {  	_ =	shalt  }
0x76: {  	_ =	shalt  }
0x77: {  	_ =	shalt  }
0x78: {  	_ =	shalt  }
0x79: {  	_ =	shalt  }
0x7a: {  	_ =	shalt  }
0x7b: {  	_ =	shalt  }
0x7c: {  	_ =	shalt  }
0x7d: {  	_ =	shalt  }
0x7e: {  	_ =	shalt  }
0x7f: {  	_ =	shalt  }
0x80: {  	_ =	shalt  }
0x81: {  	_ =	shalt  }
0x82: {  	_ =	shalt  }
0x83: {  	_ =	shalt  }
0x84: {  	_ =	shalt  }
0x85: {  	_ =	shalt  }
0x86: {  	_ =	shalt  }
0x87: {  	_ =	shalt  }
.Lfunc_end0:
.L_simem_size_0:
called_computation_lowered:
.L_overlay_start_0:
0x88: {  	s2 =	sld [smem:$0x3FD9]  }
0x89: {  	s3 =	sld [smem:$0x3FFE];
	_ =	sdelay $0x1  }
0x8a: {  	s1 =	srdreg.scid  }
0x8b: {  	s0 =	sand.u32 $0x1, s1  }
0x8c: {  	s14 =	sshll.u32 s0, $0xA;
	s2 =	sadd.s32 s3, s2  }
0x8d: {  	s2 =	sadd.s32 s2, s14  }
0x8e: {  	[smem:$0x3FBD] =	sst s2  }
0x8f: {  	_ = 	snop  }
0x90: {  	s2 =	sld [smem:$0x3FD0];
	_ =	sdelay $0x2  }
0x91: {  	s4 =	simm.s32 $0xA;
	s5 =	simm.s32 $0x10;
	s15 =	sld [smem:$0x3FC9]  }
0x92: {  	[smem:s5], [sflag:s4] =	dma.local [hbm:s2], $0x1  }
0x93: {  	_ =	swait.eq [sflag:s4], $0x1  }
0x94: {  	[sflag:s4] =	ssyncset.done $0x0  }
0x95: {  	[sflag:s4] =	ssyncadd.s32 $0xFFFFFFFF  }
0x96: {  	s16 =	sld [smem:$0x11];
	(tm) =	ssettm $0x1  }
0x97: {  	s17 =	sld [smem:$0x3FFB];
	_ =	sdelay $0x3  }
0x98: {  	_ =	strace s17  }
0x99: {  	s4 =	sld [smem:$0x3FFC];
	_ =	sdelay $0x3  }
0x9a: {  	_ =	strace s4  }
0x9b: {  	s4 =	sld [smem:$0x3FFD];
	_ =	sdelay $0x3  }
0x9c: {  	_ =	strace s4  }
0x9d: {  	_ =	strace $0x8FFFFFFF  }
0x9e: {  	s18 =	sld [smem:$0x3FDB];
	_ =	sdelay $0x1  }
0x9f: {  	s19 =	simm.s32 $_scs_section_size  }
0xa0: {  	s6 =	simm.s32 $_size__tile_overlayer_lowered;
	s7 =	simm.s32 $_tile_overlayer_lowered  }
0xa1: {  	s22 =	simm.s32 $0x1BFF;
	s21 =	sshll.u32 s7, $0x1;
	s4 =	sadd.s32 s19, s18  }
0xa2: {  	s8 =	simm.s32 $0x0;
	s20 =	sshll.u32 s6, $0x1;
	s6 =	sadd.s32 s21, s4  }
0xa3: {  	[timem:s8], [sflag:s22] =	dma.local [hbm:s6], s20  }
0xa4: {  	_ =	swait.ge [sflag:s22], s20  }
0xa5: {  	s5 =	ssub.s32 $0x0, s20;
	[sflag:s22] =	ssyncset.done $0x0  }
0xa6: {  	[sflag:s22] =	ssyncadd.s32 s5;
	_ =	sdelay $0x1  }
0xa7: {  	s23 =	simm.s32 $0x1B8B  }
0xa8: {  	_ =	swait.ge [sflag:s23], $0x1  }
0xa9: {  	[sflag:s23] =	ssyncset.done $0x0  }
0xaa: {  	s25 =	simm.s32 $0x1B8E;
	s24 =	sld [smem:$0x3FFE];
	[sflag:s23] =	ssyncadd.s32 $0xFFFFFFFF  }
0xab: {  	s26 =	simm.s32 $execute0_lowered;
	[smem:$0x3FD2] =	sst s25  }
0xac: {  	s6 =	sshll.u32 s26, $0x1;
	_ =	strace $0x80000046;
	[dreg:$0x1] =	wrdreg $0xFFFFFFFF  }
0xad: {  	s28 =	simm.s32 $_size_execute0_lowered;
	s4 =	sadd.s32 s4, s6;
	[dreg:$0x0] =	wrdreg $0x0  }
0xae: {  	s6 =	sshll.u32 s28, $0x1;
	[dreg:$0x2] =	wrdreg s4  }
0xaf: {  	[dreg:$0x3] =	wrdreg s6  }
0xb0: {  	[dreg:$0x4] =	wrdreg $0xC0  }
0xb1: {  	_ =	task [dreg:s8], $0x5FFFF  }
0xb2: {  	[dreg:$0x1] =	wrdreg $0xFFFFFFFF  }
0xb3: {  	[dreg:$0x0] =	wrdreg $0x60  }
0xb4: {  	[dreg:$0x2] =	wrdreg s15  }
0xb5: {  	[dreg:$0x3] =	wrdreg s16  }
0xb6: {  	[dreg:$0x4] =	wrdreg s24  }
0xb7: {  	[dreg:$0x5] =	wrdreg $0x0  }
0xb8: {  	[dreg:$0x6] =	wrdreg $0x9  }
0xb9: {  	_ =	task.clear_ibuf [dreg:s8], $0x7FFFF;
	_ =	strace $0x90000046  }
0xba: {  	s29 =	simm.s32 $0x9;
	_ =	strace $0x80000048  }
0xbb: {  	_ =	swait.ge [sflag:s29], $0x1  }
0xbc: {  	[sflag:s29] =	ssyncadd.s32 $0xFFFFFFFF  }
0xbd: {  	_ =	strace $0x90000048  }
0xbe: {  	_ =	sfence  }
0xbf: {  	s30 =	sld [smem:$0x0];
	_ =	sdelay $0x2  }
0xc0: {  	s31 =	sshll.u32 s1, $0xD;
	s1 =	sshrl.u32 s1, $0x2  }
0xc1: {  	s3 =	sand.u32 $0x4000, s31;
	s1 =	sadd.s32 s1, s30  }
0xc2: {  	s0 =	sor.u32 s3, s0;
	s1 =	sshll.u32 s1, $0x11  }
0xc3: {  	s0 =	sor.u32 s1, s0  }
0xc4: {  	s0 =	sadd.s32 $0x8F2B, s0  }
0xc5: {  	[sflag:s0] =	ssyncadd.remote.s32 $0x1  }
0xc6: {  	_ =	sfence.sel $0xFFFF  }
0xc7: {  	[dreg:$0x0] =	wrdreg $0xFFFFFFFF;
	(pc) =	sbr.abs _section_cstart, $3  }
0xc8: {  	[dreg:$0x1] =	wrdreg $0xFFFFFFFF  }
0xc9: {  	_ =	task.clear_ibuf [dreg:s8], $0x2FFFF;
	_ =	strace $0x9FFFFFFF  }
0xca: {  	(tm) =	ssettm $0x7FFFFFFF  }
0xcb: {  	_ =	shalt  }
tec
execute0_lowered:
.L_overlay_start_1:
0x0: {  	(tag) =	ssettag $0x1  }
0x1: {  	s1 =	rddreg [dreg:$0x0]  }
0x2: {  	s7 =	rddreg [dreg:$0x1]  }
0x3: {  	s0 =	srdreg.scid;
	s6 =	rddreg [dreg:$0x2]  }
0x4: {  	s3 =	rddreg [dreg:$0x3];
	s4 =	simm.s32 $0x0;
	s15 =	simm.s32 $0x60  }
0x5: {  	s16 =	simm.s32 $0x1B000;
	s5 =	sand.u32 $0x1, s0;
	s0 =	stileid.u32  }
0x6: {  	s17 =	simm.s32 $0x1;
	s18 =	simm.s32 $0x0;
	s9 =	smul.u32 $0x14000, s0  }
0x7: {  	[smem:$0x7FF] =	sst s4;
	s2 =	sshll.u32 s5, $0x4;
	s10 =	smul.u32 $0x140000, s5  }
0x8: {  	s5 =	ssub.s32 $0x2, s5;
	s28 =	smul.u32 $0x50000, s0;
	s2 =	sor.u32 s0, s2  }
0x9: {  	s31 =	sshll.u32 s0, $0x6;
	s29 =	sshrl.u32 s5, $0x1;
	s8 =	smul.u32 $0x700, s2  }
0xa: {  	s2 =	rddreg [dreg:$0x4];
	_ =	strace $0x80000047;
	s12 =	sshrl.u32 s9, $0x3  }
0xb: {  	s9 =	sadd.s32 s9, s10;
	s13 =	ssub.s32 s5, s29;
	s30 =	sshrl.u32 s28, $0x2  }
0xc: {  	s9 =	sshrl.u32 s9, $0x3;
	s12 =	sadd.s32 s12, s6;
	s14 =	sadd.s32 s30, s3  }
0xd: {  	s10 =	smax.u32 s13, $0x1;
	s13 =	simm.s32 $0x14000;
	s11 =	sadd.s32 s8, s6  }
0xe: {  	s9 =	sadd.s32 s9, s6;
	s5 =	sadd.s32 $0xF000, s12;
	s6 =	sor.u32 $0x1C02, s31  }
0xf: {  	s7 =	sadd.s32 s7, s8;
	s12 =	simm.s32 $0x2;
	s8 =	sadd.s32 $0x1000, s11  }
0x10: {  	s9 =	sadd.s32 $0x37000, s9;
	s11 =	sshrl.u32 s14, $0x3;
	s14 =	simm.s32 $0x17800  }
.LBB2_1:
0x11: {  	[spmem:s11], [sflag:s6] =	dma.local [hbm:s5], $0x2800  }
0x12: {  	_ =	swait.ge [sflag:s12], $0x2800  }
0x13: {  	[sflag:s12] =	ssyncset.done $0x0  }
0x14: {  	[sflag:s12] =	ssyncadd.s32 $0xFFFFD800  }
0x15: {  	[tilespmem:s13], [sflag:$0x2] =	stream.linear.gather [hbm4b:s7+s4], $0x3480, $0x38;
	[tilespmem:$0x1E000] =	vst v63  }
0x16: {  	_ =	swait.ge [sflag:s12], $0x3480  }
0x17: {  	[sflag:s12] =	ssyncset.done $0x0  }
0x18: {  	[sflag:s12] =	ssyncadd.s32 $0xFFFFCB80  }
0x19: {  	[tilespmem:s14], [sflag:$0x2] =	stream.linear.gather [hbm4b:s8+s4], $0x3480, $0x38;
	[tilespmem:$0x1E000] =	vst v63  }
0x1a: {  	_ =	swait.ge [sflag:s12], $0x3480  }
0x1b: {  	[sflag:s12] =	ssyncset.done $0x0  }
0x1c: {  	[sflag:s12] =	ssyncadd.s32 $0xFFFFCB80  }
0x1d: {  	s19 =	simm.s32 $0x14000;
	[bflag:$0x0] =	sbarrier.arrive $0xFFFF  }
0x1e: {  	[tilespmem:s16], [sflag:$0x1] =	stream.indirect.gather [hbm4b:s1+s15], $0x80, s19, s15, $0xb8;
	[tilespmem:$0x1E000] =	vst v63  }
0x1f: {  	_ =	swait.ge [sflag:s17], $0x3000  }
0x20: {  	[sflag:s17] =	ssyncset.done $0x0  }
0x21: {  	s31 =	simm.s32 $0x17800;
	[sflag:s17] =	ssyncadd.s32 $0xFFFFD000  }
0x22: {  	[spmem:s3] =	stream.indirect.scatter.add.f32 [tilespmem:s16], [sflag:$0x2], $0x80, s31, s15, $0xb8;
	[tilespmem:$0x1E000] =	vst v63  }
0x23: {  	_ =	swait.ge [sflag:s12], $0x3000  }
0x24: {  	s20 =	simm.s32 $0x400;
	s19 =	simm.s32 $0x80;
	[sflag:s12] =	ssyncset.done $0x0  }
.LBB2_2:
0x25: {  	s21 =	sadd.s32 $0x14000, s19  }
0x26: {  	[sflag:s12] =	ssyncadd.s32 $0xFFFFD000;
	s22 =	smov.u32 s20;
	s23 =	sadd.s32 $0x200, s20  }
0x27: {  	[tilespmem:s16], [sflag:$0x1] =	stream.indirect.gather [hbm4b:s1+s15], $0x80, s21, s15, $0xb8;
	[tilespmem:$0x1E000] =	vst v63  }
0x28: {  	p0 =	sne.s32 s20, $0xD000;
	_ =	swait.ge [sflag:s17], $0x3000  }
.Ltmp0:
0x29: {  	[sflag:s17] =	ssyncset.done $0x0;
	(pc) =	sbr.rel @p0 .LBB2_2-.Ltmp0, $4  }
0x2a: {  	s19 =	sadd.s32 $0x17800, s19;
	[sflag:s17] =	ssyncadd.s32 $0xFFFFD000  }
0x2b: {  	[spmem:s3] =	stream.indirect.scatter.add.f32 [tilespmem:s16], [sflag:$0x2], $0x80, s19, s15, $0xb8;
	[tilespmem:$0x1E000] =	vst v63  }
0x2c: {  	_ =	swait.ge [sflag:s12], $0x3000  }
0x2d: {  	s20 =	smov.u32 s23;
	s19 =	sshra.s32 s22, $0x2;
	[sflag:s12] =	ssyncset.done $0x0  }
0x2e: {  	s20 =	sadd.s32 $0x14000, s19;
	[sflag:s12] =	ssyncadd.s32 $0xFFFFD000  }
0x2f: {  	[tilespmem:s16], [sflag:$0x1] =	stream.indirect.gather [hbm4b:s1+s15], $0x80, s20, s15, $0xb8;
	[tilespmem:$0x1E000] =	vst v63  }
0x30: {  	_ =	swait.ge [sflag:s17], $0x3000  }
0x31: {  	[sflag:s17] =	ssyncset.done $0x0  }
0x32: {  	s31 =	sadd.s32 $0x17800, s19;
	[sflag:s17] =	ssyncadd.s32 $0xFFFFD000  }
0x33: {  	[spmem:s3] =	stream.indirect.scatter.add.f32 [tilespmem:s16], [sflag:$0x2], $0x80, s31, s15, $0xb8;
	[tilespmem:$0x1E000] =	vst v63  }
0x34: {  	_ =	swait.ge [sflag:s12], $0x3000  }
0x35: {  	s18 =	sadd.s32 $0x1, s18;
	[sflag:s12] =	ssyncset.done $0x0  }
0x36: {  	p0 =	sne.s32 s18, s10;
	[sflag:s12] =	ssyncadd.s32 $0xFFFFD000  }
.Ltmp1:
0x37: {  	[bflag:$0x0] =	sbarrier.arrive $0xFFFF;
	(pc) =	sbr.rel @p0 .LBB2_1-.Ltmp1, $4  }
0x38: {  	[hbm:s9], [sflag:s6] =	dma.local [spmem:s11], $0x2800  }
0x39: {  	_ =	swait.ge [sflag:s12], $0x2800  }
0x3a: {  	[sflag:s12] =	ssyncset.done $0x0  }
0x3b: {  	[sflag:s12] =	ssyncadd.s32 $0xFFFFD800  }
0x3c: {  	_ =	sfence.sel $0x180000  }
0x3d: {  	[bflag:$0x0] =	sbarrier.arrive $0xFFFF  }
0x3e: {  	p0 =	sne.s32 s0, $0x0;
	_ =	strace $0x90000047  }
0x3f: {  	s0 =	sadd.s32 @!p0 $0x100000, s2;
	[bflag:$0x2] =	sbarrier.arrive $0xFFFF  }
0x40: {  	[sflag:s0] =	ssyncadd.tile.s32 @!p0 $0x1;
	_ =	shalt  }
.Lfunc_end2:
_tile_overlayer_lowered:
.L_overlay_start_2:
0x41: {  	(tag) =	ssettag $0x2  }
0x42: {  	s0 =	rddreg [dreg:$0x0];
	s2 =	stileid.u32  }
0x43: {  	s1 =	rddreg [dreg:$0x1];
	p0 =	sne.s32 s2, $0x0  }
0x44: {  	s3 =	rddreg [dreg:$0x2];
	[bflag:$0x3] =	sbarrier.arrive $0xFFFF;
	s2 =	simm.s32 @!p0 $0x1C02  }
0x45: {  	[timem:s3], [sflag:s2] =	dma.local @!p0 [hbm:s0], s1  }
0x46: {  	s0 =	simm.s32 @!p0 $0x2  }
0x47: {  	_ =	swait.ge @!p0 [sflag:s0], s1  }
0x48: {  	s1 =	ssub.s32 @!p0 $0x0, s1;
	[sflag:s0] =	ssyncset.done @!p0 $0x0  }
0x49: {  	[sflag:s0] =	ssyncadd.s32 @!p0 s1  }
0x4a: {  	[bflag:$0x3] =	sbarrier.arrive $0xFFFF  }
0x4b: {  	_ =	shalt  }

</sc_bundles>
